<compile_context>
chip_gen: v7x
topology: tpu7x:2x2x1
jax: 0.10.2.dev20260603
libtpu: 0.0.44.dev20260713+nightly
codegen_flags: <defaults>
</compile_context>

<pallas_src>
import functools

import jax
import jax.numpy as jnp
from jax import lax
from jax.experimental import pallas as pl
from jax.experimental.pallas import tpu as pltpu
from jax.experimental.pallas import tpu_sc as plsc

_B, _T, _D = 128, 999, 256
_NC = 2
_TAIL0 = (_T // 8) * 8
_TAIL = _T - _TAIL0
_TR = 64
_LANES = 16
_REP = 16


@functools.partial(
    pl.kernel,
    mesh=plsc.VectorSubcoreMesh(
        core_axis_name="c", subcore_axis_name="s", num_cores=1
    ),
    out_type=jax.ShapeDtypeStruct((_TAIL, _B, _D), jnp.float32),
    scratch_types=[
        pltpu.VMEM((8, _D), jnp.float32),
        pltpu.VMEM((_REP, _D), jnp.float32),
        pltpu.SemaphoreType.DMA,
    ],
)
def _tail_sc(table_hbm, gtail_hbm, rows_v, rep_v, sem):
    wid = lax.axis_index("s")

    @pl.when(wid < _TAIL)
    def _():
        pltpu.sync_copy(table_hbm.at[pl.ds(_TAIL0, 8), :], rows_v)

        def _rep_col(c, carry):
            vec = rows_v[wid, pl.ds(c * _LANES, _LANES)]

            def _rep_row(r, carry2):
                rep_v[r, pl.ds(c * _LANES, _LANES)] = vec
                return carry2

            return lax.fori_loop(0, _REP, _rep_row, carry)

        lax.fori_loop(0, _D // _LANES, _rep_col, 0)

        copies = [
            pltpu.async_copy(
                rep_v, gtail_hbm.at[wid].at[pl.ds(r * _REP, _REP), :], sem
            )
            for r in range(_B // _REP)
        ]
        for cp in copies:
            cp.wait()


def _broadcast_tc(w_ref, out_ref):
    out_ref[...] = jnp.broadcast_to(w_ref[...][:, None, :], (_TR, _B, _D))


_broadcast = pl.pallas_call(
    _broadcast_tc,
    grid=((_T + _TR - 1) // _TR,),
    in_specs=[pl.BlockSpec((_TR, _D), lambda i: (i, 0))],
    out_specs=pl.BlockSpec((_TR, _B, _D), lambda i: (i, 0, 0)),
    out_shape=jax.ShapeDtypeStruct((_T, _B, _D), jnp.float32),
)


def kernel(x, col_embed_weight):
    del x
    out_t = _broadcast(col_embed_weight)
    g_tail = _tail_sc(col_embed_weight)
    out_t = lax.dynamic_update_slice(out_t, g_tail, (_TAIL0, 0, 0))
    return jnp.transpose(out_t, (1, 0, 2))

# --- scband reference (transcript-rebuilt; emitter-appended) ---
"""Pipeline reference for scband-position-embedding-learned-79998060855747 (READ-ONLY COPY).

The authoritative reference and input builder live on the scoring server;
editing this copy changes nothing except your own understanding.
"""

import jax, jax.numpy as jnp
import numpy as np


def setup_inputs(seed: int = 0) -> dict:
    key = jax.random.key(seed)
    k1, k2 = jax.random.split(key)
    # forward input: only its shape is consumed by the module
    x = jnp.zeros((128, 999, 256), dtype=jnp.float32)
    # learned parameter: nn.Embedding(1000, num_pos_feats) with uniform_ init
    col_embed_weight = jax.random.uniform(k2, (1000, 256), dtype=jnp.float32)
    return {"x": x, "col_embed_weight": col_embed_weight}


def reference(x, col_embed_weight):
    # t, _ = x.shape[-2:]
    t = x.shape[-2]
    i = jnp.arange(t)
    # self.col_embed(i) -> embedding gather
    x_emb = jnp.take(col_embed_weight, i, axis=0)
    # x_emb.unsqueeze(0).repeat(B, 1, 1)
    pos = jnp.tile(x_emb[None, :, :], (x.shape[0], 1, 1))
    return pos

if __name__ == "__main__":
    import jax
    _d = setup_inputs()
    print(jax.jit(kernel)(*tuple(_d.values())))

</pallas_src>

<mosaic_0001>
#map = affine_map<(d0, d1) -> (0, 0)>
#map1 = affine_map<(d0, d1) -> (0, 0, 0)>
module attributes {stable_mosaic.version = 14 : i64} {
  func.func @_tail_sc(%arg0: i32, %arg1: i32, %arg2: memref<1000x256xf32, #tpu.memory_space<hbm>>, %arg3: memref<7x128x256xf32, #tpu.memory_space<hbm>>, %arg4: memref<8x256xf32, #tpu.memory_space<vmem>>, %arg5: memref<16x256xf32, #tpu.memory_space<vmem>>, %arg6: memref<!tpu.dma_semaphore, #tpu.memory_space<semaphore_mem>>) attributes {dimension_semantics = [#tpu.dimension_semantics<core_parallel>, #tpu.dimension_semantics<subcore_parallel>], iteration_bounds = array<i64: 1, 16>, scalar_prefetch = 0 : i64, scratch_operands = 3 : i64, tpu.core_type = #tpu.core_type<sc_vector_subcore>, window_params = [{transform_indices = #map}, {transform_indices = #map1}]} {
    %lt3A = arith.constant 7 : i32
    %lt3A_0 = arith.cmpi slt, %arg1, %lt3A : i32
    %convert_element_type3A = arith.extui %lt3A_0 : i1 to i32
    %cond3A = arith.constant 0 : i32
    %cond3A_1 = arith.cmpi ne, %convert_element_type3A, %cond3A : i32
    scf.if %cond3A_1 {
      "tpu.region"() ({
        %run_scoped3A = tpu.sem_alloc : memref<!tpu.dma_semaphore, #tpu.memory_space<semaphore_mem>>
        %dma_start3A_229 = arith.constant 992 : i32
        %dma_start3A_230 = arith.constant 0 : i32
        %dma_start3A_231 = tpu.memref_slice %arg2[%dma_start3A_229, %dma_start3A_230] : memref<1000x256xf32, #tpu.memory_space<hbm>> -> memref<8x256xf32, #tpu.memory_space<hbm>>
        %dma_start3A_232 = arith.constant 992 : i32
        %dma_start3A_233 = arith.constant 0 : i32
        %dma_start3A_234 = tpu.memref_slice %arg2[%dma_start3A_232, %dma_start3A_233] : memref<1000x256xf32, #tpu.memory_space<hbm>> -> memref<8x256xf32, #tpu.memory_space<hbm>>
        tpu.enqueue_dma source(%dma_start3A_234 : memref<8x256xf32, #tpu.memory_space<hbm>>) target(%arg4 : memref<8x256xf32, #tpu.memory_space<vmem>>) target_semaphore(%run_scoped3A : memref<!tpu.dma_semaphore, #tpu.memory_space<semaphore_mem>>)
        %dma_wait3A_235 = arith.constant 992 : i32
        %dma_wait3A_236 = arith.constant 0 : i32
        %dma_wait3A_237 = tpu.memref_slice %arg2[%dma_wait3A_235, %dma_wait3A_236] : memref<1000x256xf32, #tpu.memory_space<hbm>> -> memref<8x256xf32, #tpu.memory_space<hbm>>
        %dma_wait3A_238 = arith.constant 992 : i32
        %dma_wait3A_239 = arith.constant 0 : i32
        %dma_wait3A_240 = tpu.memref_slice %arg2[%dma_wait3A_238, %dma_wait3A_239] : memref<1000x256xf32, #tpu.memory_space<hbm>> -> memref<8x256xf32, #tpu.memory_space<hbm>>
        tpu.wait_dma2 semaphore(%run_scoped3A : memref<!tpu.dma_semaphore, #tpu.memory_space<semaphore_mem>>) src(%dma_wait3A_240 : memref<8x256xf32, #tpu.memory_space<hbm>>) dst(%arg4 : memref<8x256xf32, #tpu.memory_space<vmem>>)
        tpu.yield
      }) : () -> ()
      %scan3A = arith.constant 0 : i32
      %scan3A_2 = arith.constant 0 : i32
      %scan3A_3 = arith.constant 16 : i32
      %scan3A_4 = arith.addi %scan3A_2, %scan3A_3 : i32
      %scan3A_5 = arith.constant 1 : i32
      scf.for %scan3A_229 = %scan3A_2 to %scan3A_4 step %scan3A_5  : i32 {
        %mul3A = arith.constant 16 : i32
        %mul3A_230 = arith.muli %scan3A_229, %mul3A : i32
        %get3A = arith.index_cast %arg1 : i32 to index
        %get3A_231 = arith.index_cast %mul3A_230 : i32 to index
        %get3A_232 = tpu.vector_load %arg4[%get3A, %get3A_231] {strides = array<i32>} : memref<8x256xf32, #tpu.memory_space<vmem>>, vector<1x16xf32>,
        %get3A_233 = vector.shape_cast %get3A_232 : vector<1x16xf32> to vector<16xf32>
        %scan3A_234 = arith.constant 0 : i32
        %scan3A_235 = arith.constant 16 : i32
        %scan3A_236 = arith.addi %scan3A_234, %scan3A_235 : i32
        %scan3A_237 = arith.constant 1 : i32
        scf.for %scan3A_239 = %scan3A_234 to %scan3A_236 step %scan3A_237  : i32 {
          %mul3A_240 = arith.constant 16 : i32
          %mul3A_241 = arith.muli %scan3A_229, %mul3A_240 : i32
          %swap3A = arith.index_cast %scan3A_239 : i32 to index
          %swap3A_242 = arith.index_cast %mul3A_241 : i32 to index
          %swap3A_243 = tpu.vector_load %arg5[%swap3A, %swap3A_242] {strides = array<i32>} : memref<16x256xf32, #tpu.memory_space<vmem>>, vector<1x16xf32>,
          %swap3A_244 = vector.shape_cast %swap3A_243 : vector<1x16xf32> to vector<16xf32>
          %swap3A_245 = vector.shape_cast %get3A_233 : vector<16xf32> to vector<1x16xf32>
          tpu.vector_store %arg5[%swap3A, %swap3A_242], %swap3A_245 {strides = array<i32>} : memref<16x256xf32, #tpu.memory_space<vmem>>, vector<1x16xf32>,
        }
        %scan3A_238 = arith.constant 16 : i32
      }
      %scan3A_6 = arith.constant 16 : i32
      %dma_start3A = arith.constant 0 : i32
      %dma_start3A_7 = arith.constant 0 : i32
      %dma_start3A_8 = tpu.memref_slice %arg3[%arg1, %dma_start3A, %dma_start3A_7] : memref<7x128x256xf32, #tpu.memory_space<hbm>> -> memref<1x128x256xf32, #tpu.memory_space<hbm>>
      %dma_start3A_9 = tpu.memref_squeeze %dma_start3A_8 : memref<1x128x256xf32, #tpu.memory_space<hbm>> -> memref<128x256xf32, #tpu.memory_space<hbm>>
      %dma_start3A_10 = arith.constant 0 : i32
      %dma_start3A_11 = arith.constant 0 : i32
      %dma_start3A_12 = tpu.memref_slice %dma_start3A_9[%dma_start3A_10, %dma_start3A_11] : memref<128x256xf32, #tpu.memory_space<hbm>> -> memref<16x256xf32, #tpu.memory_space<hbm>>
      %dma_start3A_13 = arith.constant 0 : i32
      %dma_start3A_14 = arith.constant 0 : i32
      %dma_start3A_15 = tpu.memref_slice %arg3[%arg1, %dma_start3A_13, %dma_start3A_14] : memref<7x128x256xf32, #tpu.memory_space<hbm>> -> memref<1x128x256xf32, #tpu.memory_space<hbm>>
      %dma_start3A_16 = tpu.memref_squeeze %dma_start3A_15 : memref<1x128x256xf32, #tpu.memory_space<hbm>> -> memref<128x256xf32, #tpu.memory_space<hbm>>
      %dma_start3A_17 = arith.constant 0 : i32
      %dma_start3A_18 = arith.constant 0 : i32
      %dma_start3A_19 = tpu.memref_slice %dma_start3A_16[%dma_start3A_17, %dma_start3A_18] : memref<128x256xf32, #tpu.memory_space<hbm>> -> memref<16x256xf32, #tpu.memory_space<hbm>>
      tpu.enqueue_dma source(%arg5 : memref<16x256xf32, #tpu.memory_space<vmem>>) target(%dma_start3A_19 : memref<16x256xf32, #tpu.memory_space<hbm>>) target_semaphore(%arg6 : memref<!tpu.dma_semaphore, #tpu.memory_space<semaphore_mem>>)
      %dma_start3A_20 = arith.constant 0 : i32
      %dma_start3A_21 = arith.constant 0 : i32
      %dma_start3A_22 = tpu.memref_slice %arg3[%arg1, %dma_start3A_20, %dma_start3A_21] : memref<7x128x256xf32, #tpu.memory_space<hbm>> -> memref<1x128x256xf32, #tpu.memory_space<hbm>>
      %dma_start3A_23 = tpu.memref_squeeze %dma_start3A_22 : memref<1x128x256xf32, #tpu.memory_space<hbm>> -> memref<128x256xf32, #tpu.memory_space<hbm>>
      %dma_start3A_24 = arith.constant 16 : i32
      %dma_start3A_25 = arith.constant 0 : i32
      %dma_start3A_26 = tpu.memref_slice %dma_start3A_23[%dma_start3A_24, %dma_start3A_25] : memref<128x256xf32, #tpu.memory_space<hbm>> -> memref<16x256xf32, #tpu.memory_space<hbm>>
      %dma_start3A_27 = arith.constant 0 : i32
      %dma_start3A_28 = arith.constant 0 : i32
      %dma_start3A_29 = tpu.memref_slice %arg3[%arg1, %dma_start3A_27, %dma_start3A_28] : memref<7x128x256xf32, #tpu.memory_space<hbm>> -> memref<1x128x256xf32, #tpu.memory_space<hbm>>
      %dma_start3A_30 = tpu.memref_squeeze %dma_start3A_29 : memref<1x128x256xf32, #tpu.memory_space<hbm>> -> memref<128x256xf32, #tpu.memory_space<hbm>>
      %dma_start3A_31 = arith.constant 16 : i32
      %dma_start3A_32 = arith.constant 0 : i32
      %dma_start3A_33 = tpu.memref_slice %dma_start3A_30[%dma_start3A_31, %dma_start3A_32] : memref<128x256xf32, #tpu.memory_space<hbm>> -> memref<16x256xf32, #tpu.memory_space<hbm>>
      tpu.enqueue_dma source(%arg5 : memref<16x256xf32, #tpu.memory_space<vmem>>) target(%dma_start3A_33 : memref<16x256xf32, #tpu.memory_space<hbm>>) target_semaphore(%arg6 : memref<!tpu.dma_semaphore, #tpu.memory_space<semaphore_mem>>)
      %dma_start3A_34 = arith.constant 0 : i32
      %dma_start3A_35 = arith.constant 0 : i32
      %dma_start3A_36 = tpu.memref_slice %arg3[%arg1, %dma_start3A_34, %dma_start3A_35] : memref<7x128x256xf32, #tpu.memory_space<hbm>> -> memref<1x128x256xf32, #tpu.memory_space<hbm>>
      %dma_start3A_37 = tpu.memref_squeeze %dma_start3A_36 : memref<1x128x256xf32, #tpu.memory_space<hbm>> -> memref<128x256xf32, #tpu.memory_space<hbm>>
      %dma_start3A_38 = arith.constant 32 : i32
      %dma_start3A_39 = arith.constant 0 : i32
      %dma_start3A_40 = tpu.memref_slice %dma_start3A_37[%dma_start3A_38, %dma_start3A_39] : memref<128x256xf32, #tpu.memory_space<hbm>> -> memref<16x256xf32, #tpu.memory_space<hbm>>
      %dma_start3A_41 = arith.constant 0 : i32
      %dma_start3A_42 = arith.constant 0 : i32
      %dma_start3A_43 = tpu.memref_slice %arg3[%arg1, %dma_start3A_41, %dma_start3A_42] : memref<7x128x256xf32, #tpu.memory_space<hbm>> -> memref<1x128x256xf32, #tpu.memory_space<hbm>>
      %dma_start3A_44 = tpu.memref_squeeze %dma_start3A_43 : memref<1x128x256xf32, #tpu.memory_space<hbm>> -> memref<128x256xf32, #tpu.memory_space<hbm>>
      %dma_start3A_45 = arith.constant 32 : i32
      %dma_start3A_46 = arith.constant 0 : i32
      %dma_start3A_47 = tpu.memref_slice %dma_start3A_44[%dma_start3A_45, %dma_start3A_46] : memref<128x256xf32, #tpu.memory_space<hbm>> -> memref<16x256xf32, #tpu.memory_space<hbm>>
      tpu.enqueue_dma source(%arg5 : memref<16x256xf32, #tpu.memory_space<vmem>>) target(%dma_start3A_47 : memref<16x256xf32, #tpu.memory_space<hbm>>) target_semaphore(%arg6 : memref<!tpu.dma_semaphore, #tpu.memory_space<semaphore_mem>>)
      %dma_start3A_48 = arith.constant 0 : i32
      %dma_start3A_49 = arith.constant 0 : i32
      %dma_start3A_50 = tpu.memref_slice %arg3[%arg1, %dma_start3A_48, %dma_start3A_49] : memref<7x128x256xf32, #tpu.memory_space<hbm>> -> memref<1x128x256xf32, #tpu.memory_space<hbm>>
      %dma_start3A_51 = tpu.memref_squeeze %dma_start3A_50 : memref<1x128x256xf32, #tpu.memory_space<hbm>> -> memref<128x256xf32, #tpu.memory_space<hbm>>
      %dma_start3A_52 = arith.constant 48 : i32
      %dma_start3A_53 = arith.constant 0 : i32
      %dma_start3A_54 = tpu.memref_slice %dma_start3A_51[%dma_start3A_52, %dma_start3A_53] : memref<128x256xf32, #tpu.memory_space<hbm>> -> memref<16x256xf32, #tpu.memory_space<hbm>>
      %dma_start3A_55 = arith.constant 0 : i32
      %dma_start3A_56 = arith.constant 0 : i32
      %dma_start3A_57 = tpu.memref_slice %arg3[%arg1, %dma_start3A_55, %dma_start3A_56] : memref<7x128x256xf32, #tpu.memory_space<hbm>> -> memref<1x128x256xf32, #tpu.memory_space<hbm>>
      %dma_start3A_58 = tpu.memref_squeeze %dma_start3A_57 : memref<1x128x256xf32, #tpu.memory_space<hbm>> -> memref<128x256xf32, #tpu.memory_space<hbm>>
      %dma_start3A_59 = arith.constant 48 : i32
      %dma_start3A_60 = arith.constant 0 : i32
      %dma_start3A_61 = tpu.memref_slice %dma_start3A_58[%dma_start3A_59, %dma_start3A_60] : memref<128x256xf32, #tpu.memory_space<hbm>> -> memref<16x256xf32, #tpu.memory_space<hbm>>
      tpu.enqueue_dma source(%arg5 : memref<16x256xf32, #tpu.memory_space<vmem>>) target(%dma_start3A_61 : memref<16x256xf32, #tpu.memory_space<hbm>>) target_semaphore(%arg6 : memref<!tpu.dma_semaphore, #tpu.memory_space<semaphore_mem>>)
      %dma_start3A_62 = arith.constant 0 : i32
      %dma_start3A_63 = arith.constant 0 : i32
      %dma_start3A_64 = tpu.memref_slice %arg3[%arg1, %dma_start3A_62, %dma_start3A_63] : memref<7x128x256xf32, #tpu.memory_space<hbm>> -> memref<1x128x256xf32, #tpu.memory_space<hbm>>
      %dma_start3A_65 = tpu.memref_squeeze %dma_start3A_64 : memref<1x128x256xf32, #tpu.memory_space<hbm>> -> memref<128x256xf32, #tpu.memory_space<hbm>>
      %dma_start3A_66 = arith.constant 64 : i32
      %dma_start3A_67 = arith.constant 0 : i32
      %dma_start3A_68 = tpu.memref_slice %dma_start3A_65[%dma_start3A_66, %dma_start3A_67] : memref<128x256xf32, #tpu.memory_space<hbm>> -> memref<16x256xf32, #tpu.memory_space<hbm>>
      %dma_start3A_69 = arith.constant 0 : i32
      %dma_start3A_70 = arith.constant 0 : i32
      %dma_start3A_71 = tpu.memref_slice %arg3[%arg1, %dma_start3A_69, %dma_start3A_70] : memref<7x128x256xf32, #tpu.memory_space<hbm>> -> memref<1x128x256xf32, #tpu.memory_space<hbm>>
      %dma_start3A_72 = tpu.memref_squeeze %dma_start3A_71 : memref<1x128x256xf32, #tpu.memory_space<hbm>> -> memref<128x256xf32, #tpu.memory_space<hbm>>
      %dma_start3A_73 = arith.constant 64 : i32
      %dma_start3A_74 = arith.constant 0 : i32
      %dma_start3A_75 = tpu.memref_slice %dma_start3A_72[%dma_start3A_73, %dma_start3A_74] : memref<128x256xf32, #tpu.memory_space<hbm>> -> memref<16x256xf32, #tpu.memory_space<hbm>>
      tpu.enqueue_dma source(%arg5 : memref<16x256xf32, #tpu.memory_space<vmem>>) target(%dma_start3A_75 : memref<16x256xf32, #tpu.memory_space<hbm>>) target_semaphore(%arg6 : memref<!tpu.dma_semaphore, #tpu.memory_space<semaphore_mem>>)
      %dma_start3A_76 = arith.constant 0 : i32
      %dma_start3A_77 = arith.constant 0 : i32
      %dma_start3A_78 = tpu.memref_slice %arg3[%arg1, %dma_start3A_76, %dma_start3A_77] : memref<7x128x256xf32, #tpu.memory_space<hbm>> -> memref<1x128x256xf32, #tpu.memory_space<hbm>>
      %dma_start3A_79 = tpu.memref_squeeze %dma_start3A_78 : memref<1x128x256xf32, #tpu.memory_space<hbm>> -> memref<128x256xf32, #tpu.memory_space<hbm>>
      %dma_start3A_80 = arith.constant 80 : i32
      %dma_start3A_81 = arith.constant 0 : i32
      %dma_start3A_82 = tpu.memref_slice %dma_start3A_79[%dma_start3A_80, %dma_start3A_81] : memref<128x256xf32, #tpu.memory_space<hbm>> -> memref<16x256xf32, #tpu.memory_space<hbm>>
      %dma_start3A_83 = arith.constant 0 : i32
      %dma_start3A_84 = arith.constant 0 : i32
      %dma_start3A_85 = tpu.memref_slice %arg3[%arg1, %dma_start3A_83, %dma_start3A_84] : memref<7x128x256xf32, #tpu.memory_space<hbm>> -> memref<1x128x256xf32, #tpu.memory_space<hbm>>
      %dma_start3A_86 = tpu.memref_squeeze %dma_start3A_85 : memref<1x128x256xf32, #tpu.memory_space<hbm>> -> memref<128x256xf32, #tpu.memory_space<hbm>>
      %dma_start3A_87 = arith.constant 80 : i32
      %dma_start3A_88 = arith.constant 0 : i32
      %dma_start3A_89 = tpu.memref_slice %dma_start3A_86[%dma_start3A_87, %dma_start3A_88] : memref<128x256xf32, #tpu.memory_space<hbm>> -> memref<16x256xf32, #tpu.memory_space<hbm>>
      tpu.enqueue_dma source(%arg5 : memref<16x256xf32, #tpu.memory_space<vmem>>) target(%dma_start3A_89 : memref<16x256xf32, #tpu.memory_space<hbm>>) target_semaphore(%arg6 : memref<!tpu.dma_semaphore, #tpu.memory_space<semaphore_mem>>)
      %dma_start3A_90 = arith.constant 0 : i32
      %dma_start3A_91 = arith.constant 0 : i32
      %dma_start3A_92 = tpu.memref_slice %arg3[%arg1, %dma_start3A_90, %dma_start3A_91] : memref<7x128x256xf32, #tpu.memory_space<hbm>> -> memref<1x128x256xf32, #tpu.memory_space<hbm>>
      %dma_start3A_93 = tpu.memref_squeeze %dma_start3A_92 : memref<1x128x256xf32, #tpu.memory_space<hbm>> -> memref<128x256xf32, #tpu.memory_space<hbm>>
      %dma_start3A_94 = arith.constant 96 : i32
      %dma_start3A_95 = arith.constant 0 : i32
      %dma_start3A_96 = tpu.memref_slice %dma_start3A_93[%dma_start3A_94, %dma_start3A_95] : memref<128x256xf32, #tpu.memory_space<hbm>> -> memref<16x256xf32, #tpu.memory_space<hbm>>
      %dma_start3A_97 = arith.constant 0 : i32
      %dma_start3A_98 = arith.constant 0 : i32
      %dma_start3A_99 = tpu.memref_slice %arg3[%arg1, %dma_start3A_97, %dma_start3A_98] : memref<7x128x256xf32, #tpu.memory_space<hbm>> -> memref<1x128x256xf32, #tpu.memory_space<hbm>>
      %dma_start3A_100 = tpu.memref_squeeze %dma_start3A_99 : memref<1x128x256xf32, #tpu.memory_space<hbm>> -> memref<128x256xf32, #tpu.memory_space<hbm>>
      %dma_start3A_101 = arith.constant 96 : i32
      %dma_start3A_102 = arith.constant 0 : i32
      %dma_start3A_103 = tpu.memref_slice %dma_start3A_100[%dma_start3A_101, %dma_start3A_102] : memref<128x256xf32, #tpu.memory_space<hbm>> -> memref<16x256xf32, #tpu.memory_space<hbm>>
      tpu.enqueue_dma source(%arg5 : memref<16x256xf32, #tpu.memory_space<vmem>>) target(%dma_start3A_103 : memref<16x256xf32, #tpu.memory_space<hbm>>) target_semaphore(%arg6 : memref<!tpu.dma_semaphore, #tpu.memory_space<semaphore_mem>>)
      %dma_start3A_104 = arith.constant 0 : i32
      %dma_start3A_105 = arith.constant 0 : i32
      %dma_start3A_106 = tpu.memref_slice %arg3[%arg1, %dma_start3A_104, %dma_start3A_105] : memref<7x128x256xf32, #tpu.memory_space<hbm>> -> memref<1x128x256xf32, #tpu.memory_space<hbm>>
      %dma_start3A_107 = tpu.memref_squeeze %dma_start3A_106 : memref<1x128x256xf32, #tpu.memory_space<hbm>> -> memref<128x256xf32, #tpu.memory_space<hbm>>
      %dma_start3A_108 = arith.constant 112 : i32
      %dma_start3A_109 = arith.constant 0 : i32
      %dma_start3A_110 = tpu.memref_slice %dma_start3A_107[%dma_start3A_108, %dma_start3A_109] : memref<128x256xf32, #tpu.memory_space<hbm>> -> memref<16x256xf32, #tpu.memory_space<hbm>>
      %dma_start3A_111 = arith.constant 0 : i32
      %dma_start3A_112 = arith.constant 0 : i32
      %dma_start3A_113 = tpu.memref_slice %arg3[%arg1, %dma_start3A_111, %dma_start3A_112] : memref<7x128x256xf32, #tpu.memory_space<hbm>> -> memref<1x128x256xf32, #tpu.memory_space<hbm>>
      %dma_start3A_114 = tpu.memref_squeeze %dma_start3A_113 : memref<1x128x256xf32, #tpu.memory_space<hbm>> -> memref<128x256xf32, #tpu.memory_space<hbm>>
      %dma_start3A_115 = arith.constant 112 : i32
      %dma_start3A_116 = arith.constant 0 : i32
      %dma_start3A_117 = tpu.memref_slice %dma_start3A_114[%dma_start3A_115, %dma_start3A_116] : memref<128x256xf32, #tpu.memory_space<hbm>> -> memref<16x256xf32, #tpu.memory_space<hbm>>
      tpu.enqueue_dma source(%arg5 : memref<16x256xf32, #tpu.memory_space<vmem>>) target(%dma_start3A_117 : memref<16x256xf32, #tpu.memory_space<hbm>>) target_semaphore(%arg6 : memref<!tpu.dma_semaphore, #tpu.memory_space<semaphore_mem>>)
      %dma_wait3A = arith.constant 0 : i32
      %dma_wait3A_118 = arith.constant 0 : i32
      %dma_wait3A_119 = tpu.memref_slice %arg3[%arg1, %dma_wait3A, %dma_wait3A_118] : memref<7x128x256xf32, #tpu.memory_space<hbm>> -> memref<1x128x256xf32, #tpu.memory_space<hbm>>
      %dma_wait3A_120 = tpu.memref_squeeze %dma_wait3A_119 : memref<1x128x256xf32, #tpu.memory_space<hbm>> -> memref<128x256xf32, #tpu.memory_space<hbm>>
      %dma_wait3A_121 = arith.constant 0 : i32
      %dma_wait3A_122 = arith.constant 0 : i32
      %dma_wait3A_123 = tpu.memref_slice %dma_wait3A_120[%dma_wait3A_121, %dma_wait3A_122] : memref<128x256xf32, #tpu.memory_space<hbm>> -> memref<16x256xf32, #tpu.memory_space<hbm>>
      %dma_wait3A_124 = arith.constant 0 : i32
      %dma_wait3A_125 = arith.constant 0 : i32
      %dma_wait3A_126 = tpu.memref_slice %arg3[%arg1, %dma_wait3A_124, %dma_wait3A_125] : memref<7x128x256xf32, #tpu.memory_space<hbm>> -> memref<1x128x256xf32, #tpu.memory_space<hbm>>
      %dma_wait3A_127 = tpu.memref_squeeze %dma_wait3A_126 : memref<1x128x256xf32, #tpu.memory_space<hbm>> -> memref<128x256xf32, #tpu.memory_space<hbm>>
      %dma_wait3A_128 = arith.constant 0 : i32
      %dma_wait3A_129 = arith.constant 0 : i32
      %dma_wait3A_130 = tpu.memref_slice %dma_wait3A_127[%dma_wait3A_128, %dma_wait3A_129] : memref<128x256xf32, #tpu.memory_space<hbm>> -> memref<16x256xf32, #tpu.memory_space<hbm>>
      tpu.wait_dma2 semaphore(%arg6 : memref<!tpu.dma_semaphore, #tpu.memory_space<semaphore_mem>>) src(%arg5 : memref<16x256xf32, #tpu.memory_space<vmem>>) dst(%dma_wait3A_130 : memref<16x256xf32, #tpu.memory_space<hbm>>)
      %dma_wait3A_131 = arith.constant 0 : i32
      %dma_wait3A_132 = arith.constant 0 : i32
      %dma_wait3A_133 = tpu.memref_slice %arg3[%arg1, %dma_wait3A_131, %dma_wait3A_132] : memref<7x128x256xf32, #tpu.memory_space<hbm>> -> memref<1x128x256xf32, #tpu.memory_space<hbm>>
      %dma_wait3A_134 = tpu.memref_squeeze %dma_wait3A_133 : memref<1x128x256xf32, #tpu.memory_space<hbm>> -> memref<128x256xf32, #tpu.memory_space<hbm>>
      %dma_wait3A_135 = arith.constant 16 : i32
      %dma_wait3A_136 = arith.constant 0 : i32
      %dma_wait3A_137 = tpu.memref_slice %dma_wait3A_134[%dma_wait3A_135, %dma_wait3A_136] : memref<128x256xf32, #tpu.memory_space<hbm>> -> memref<16x256xf32, #tpu.memory_space<hbm>>
      %dma_wait3A_138 = arith.constant 0 : i32
      %dma_wait3A_139 = arith.constant 0 : i32
      %dma_wait3A_140 = tpu.memref_slice %arg3[%arg1, %dma_wait3A_138, %dma_wait3A_139] : memref<7x128x256xf32, #tpu.memory_space<hbm>> -> memref<1x128x256xf32, #tpu.memory_space<hbm>>
      %dma_wait3A_141 = tpu.memref_squeeze %dma_wait3A_140 : memref<1x128x256xf32, #tpu.memory_space<hbm>> -> memref<128x256xf32, #tpu.memory_space<hbm>>
      %dma_wait3A_142 = arith.constant 16 : i32
      %dma_wait3A_143 = arith.constant 0 : i32
      %dma_wait3A_144 = tpu.memref_slice %dma_wait3A_141[%dma_wait3A_142, %dma_wait3A_143] : memref<128x256xf32, #tpu.memory_space<hbm>> -> memref<16x256xf32, #tpu.memory_space<hbm>>
      tpu.wait_dma2 semaphore(%arg6 : memref<!tpu.dma_semaphore, #tpu.memory_space<semaphore_mem>>) src(%arg5 : memref<16x256xf32, #tpu.memory_space<vmem>>) dst(%dma_wait3A_144 : memref<16x256xf32, #tpu.memory_space<hbm>>)
      %dma_wait3A_145 = arith.constant 0 : i32
      %dma_wait3A_146 = arith.constant 0 : i32
      %dma_wait3A_147 = tpu.memref_slice %arg3[%arg1, %dma_wait3A_145, %dma_wait3A_146] : memref<7x128x256xf32, #tpu.memory_space<hbm>> -> memref<1x128x256xf32, #tpu.memory_space<hbm>>
      %dma_wait3A_148 = tpu.memref_squeeze %dma_wait3A_147 : memref<1x128x256xf32, #tpu.memory_space<hbm>> -> memref<128x256xf32, #tpu.memory_space<hbm>>
      %dma_wait3A_149 = arith.constant 32 : i32
      %dma_wait3A_150 = arith.constant 0 : i32
      %dma_wait3A_151 = tpu.memref_slice %dma_wait3A_148[%dma_wait3A_149, %dma_wait3A_150] : memref<128x256xf32, #tpu.memory_space<hbm>> -> memref<16x256xf32, #tpu.memory_space<hbm>>
      %dma_wait3A_152 = arith.constant 0 : i32
      %dma_wait3A_153 = arith.constant 0 : i32
      %dma_wait3A_154 = tpu.memref_slice %arg3[%arg1, %dma_wait3A_152, %dma_wait3A_153] : memref<7x128x256xf32, #tpu.memory_space<hbm>> -> memref<1x128x256xf32, #tpu.memory_space<hbm>>
      %dma_wait3A_155 = tpu.memref_squeeze %dma_wait3A_154 : memref<1x128x256xf32, #tpu.memory_space<hbm>> -> memref<128x256xf32, #tpu.memory_space<hbm>>
      %dma_wait3A_156 = arith.constant 32 : i32
      %dma_wait3A_157 = arith.constant 0 : i32
      %dma_wait3A_158 = tpu.memref_slice %dma_wait3A_155[%dma_wait3A_156, %dma_wait3A_157] : memref<128x256xf32, #tpu.memory_space<hbm>> -> memref<16x256xf32, #tpu.memory_space<hbm>>
      tpu.wait_dma2 semaphore(%arg6 : memref<!tpu.dma_semaphore, #tpu.memory_space<semaphore_mem>>) src(%arg5 : memref<16x256xf32, #tpu.memory_space<vmem>>) dst(%dma_wait3A_158 : memref<16x256xf32, #tpu.memory_space<hbm>>)
      %dma_wait3A_159 = arith.constant 0 : i32
      %dma_wait3A_160 = arith.constant 0 : i32
      %dma_wait3A_161 = tpu.memref_slice %arg3[%arg1, %dma_wait3A_159, %dma_wait3A_160] : memref<7x128x256xf32, #tpu.memory_space<hbm>> -> memref<1x128x256xf32, #tpu.memory_space<hbm>>
      %dma_wait3A_162 = tpu.memref_squeeze %dma_wait3A_161 : memref<1x128x256xf32, #tpu.memory_space<hbm>> -> memref<128x256xf32, #tpu.memory_space<hbm>>
      %dma_wait3A_163 = arith.constant 48 : i32
      %dma_wait3A_164 = arith.constant 0 : i32
      %dma_wait3A_165 = tpu.memref_slice %dma_wait3A_162[%dma_wait3A_163, %dma_wait3A_164] : memref<128x256xf32, #tpu.memory_space<hbm>> -> memref<16x256xf32, #tpu.memory_space<hbm>>
      %dma_wait3A_166 = arith.constant 0 : i32
      %dma_wait3A_167 = arith.constant 0 : i32
      %dma_wait3A_168 = tpu.memref_slice %arg3[%arg1, %dma_wait3A_166, %dma_wait3A_167] : memref<7x128x256xf32, #tpu.memory_space<hbm>> -> memref<1x128x256xf32, #tpu.memory_space<hbm>>
      %dma_wait3A_169 = tpu.memref_squeeze %dma_wait3A_168 : memref<1x128x256xf32, #tpu.memory_space<hbm>> -> memref<128x256xf32, #tpu.memory_space<hbm>>
      %dma_wait3A_170 = arith.constant 48 : i32
      %dma_wait3A_171 = arith.constant 0 : i32
      %dma_wait3A_172 = tpu.memref_slice %dma_wait3A_169[%dma_wait3A_170, %dma_wait3A_171] : memref<128x256xf32, #tpu.memory_space<hbm>> -> memref<16x256xf32, #tpu.memory_space<hbm>>
      tpu.wait_dma2 semaphore(%arg6 : memref<!tpu.dma_semaphore, #tpu.memory_space<semaphore_mem>>) src(%arg5 : memref<16x256xf32, #tpu.memory_space<vmem>>) dst(%dma_wait3A_172 : memref<16x256xf32, #tpu.memory_space<hbm>>)
      %dma_wait3A_173 = arith.constant 0 : i32
      %dma_wait3A_174 = arith.constant 0 : i32
      %dma_wait3A_175 = tpu.memref_slice %arg3[%arg1, %dma_wait3A_173, %dma_wait3A_174] : memref<7x128x256xf32, #tpu.memory_space<hbm>> -> memref<1x128x256xf32, #tpu.memory_space<hbm>>
      %dma_wait3A_176 = tpu.memref_squeeze %dma_wait3A_175 : memref<1x128x256xf32, #tpu.memory_space<hbm>> -> memref<128x256xf32, #tpu.memory_space<hbm>>
      %dma_wait3A_177 = arith.constant 64 : i32
      %dma_wait3A_178 = arith.constant 0 : i32
      %dma_wait3A_179 = tpu.memref_slice %dma_wait3A_176[%dma_wait3A_177, %dma_wait3A_178] : memref<128x256xf32, #tpu.memory_space<hbm>> -> memref<16x256xf32, #tpu.memory_space<hbm>>
      %dma_wait3A_180 = arith.constant 0 : i32
      %dma_wait3A_181 = arith.constant 0 : i32
      %dma_wait3A_182 = tpu.memref_slice %arg3[%arg1, %dma_wait3A_180, %dma_wait3A_181] : memref<7x128x256xf32, #tpu.memory_space<hbm>> -> memref<1x128x256xf32, #tpu.memory_space<hbm>>
      %dma_wait3A_183 = tpu.memref_squeeze %dma_wait3A_182 : memref<1x128x256xf32, #tpu.memory_space<hbm>> -> memref<128x256xf32, #tpu.memory_space<hbm>>
      %dma_wait3A_184 = arith.constant 64 : i32
      %dma_wait3A_185 = arith.constant 0 : i32
      %dma_wait3A_186 = tpu.memref_slice %dma_wait3A_183[%dma_wait3A_184, %dma_wait3A_185] : memref<128x256xf32, #tpu.memory_space<hbm>> -> memref<16x256xf32, #tpu.memory_space<hbm>>
      tpu.wait_dma2 semaphore(%arg6 : memref<!tpu.dma_semaphore, #tpu.memory_space<semaphore_mem>>) src(%arg5 : memref<16x256xf32, #tpu.memory_space<vmem>>) dst(%dma_wait3A_186 : memref<16x256xf32, #tpu.memory_space<hbm>>)
      %dma_wait3A_187 = arith.constant 0 : i32
      %dma_wait3A_188 = arith.constant 0 : i32
      %dma_wait3A_189 = tpu.memref_slice %arg3[%arg1, %dma_wait3A_187, %dma_wait3A_188] : memref<7x128x256xf32, #tpu.memory_space<hbm>> -> memref<1x128x256xf32, #tpu.memory_space<hbm>>
      %dma_wait3A_190 = tpu.memref_squeeze %dma_wait3A_189 : memref<1x128x256xf32, #tpu.memory_space<hbm>> -> memref<128x256xf32, #tpu.memory_space<hbm>>
      %dma_wait3A_191 = arith.constant 80 : i32
      %dma_wait3A_192 = arith.constant 0 : i32
      %dma_wait3A_193 = tpu.memref_slice %dma_wait3A_190[%dma_wait3A_191, %dma_wait3A_192] : memref<128x256xf32, #tpu.memory_space<hbm>> -> memref<16x256xf32, #tpu.memory_space<hbm>>
      %dma_wait3A_194 = arith.constant 0 : i32
      %dma_wait3A_195 = arith.constant 0 : i32
      %dma_wait3A_196 = tpu.memref_slice %arg3[%arg1, %dma_wait3A_194, %dma_wait3A_195] : memref<7x128x256xf32, #tpu.memory_space<hbm>> -> memref<1x128x256xf32, #tpu.memory_space<hbm>>
      %dma_wait3A_197 = tpu.memref_squeeze %dma_wait3A_196 : memref<1x128x256xf32, #tpu.memory_space<hbm>> -> memref<128x256xf32, #tpu.memory_space<hbm>>
      %dma_wait3A_198 = arith.constant 80 : i32
      %dma_wait3A_199 = arith.constant 0 : i32
      %dma_wait3A_200 = tpu.memref_slice %dma_wait3A_197[%dma_wait3A_198, %dma_wait3A_199] : memref<128x256xf32, #tpu.memory_space<hbm>> -> memref<16x256xf32, #tpu.memory_space<hbm>>
      tpu.wait_dma2 semaphore(%arg6 : memref<!tpu.dma_semaphore, #tpu.memory_space<semaphore_mem>>) src(%arg5 : memref<16x256xf32, #tpu.memory_space<vmem>>) dst(%dma_wait3A_200 : memref<16x256xf32, #tpu.memory_space<hbm>>)
      %dma_wait3A_201 = arith.constant 0 : i32
      %dma_wait3A_202 = arith.constant 0 : i32
      %dma_wait3A_203 = tpu.memref_slice %arg3[%arg1, %dma_wait3A_201, %dma_wait3A_202] : memref<7x128x256xf32, #tpu.memory_space<hbm>> -> memref<1x128x256xf32, #tpu.memory_space<hbm>>
      %dma_wait3A_204 = tpu.memref_squeeze %dma_wait3A_203 : memref<1x128x256xf32, #tpu.memory_space<hbm>> -> memref<128x256xf32, #tpu.memory_space<hbm>>
      %dma_wait3A_205 = arith.constant 96 : i32
      %dma_wait3A_206 = arith.constant 0 : i32
      %dma_wait3A_207 = tpu.memref_slice %dma_wait3A_204[%dma_wait3A_205, %dma_wait3A_206] : memref<128x256xf32, #tpu.memory_space<hbm>> -> memref<16x256xf32, #tpu.memory_space<hbm>>
      %dma_wait3A_208 = arith.constant 0 : i32
      %dma_wait3A_209 = arith.constant 0 : i32
      %dma_wait3A_210 = tpu.memref_slice %arg3[%arg1, %dma_wait3A_208, %dma_wait3A_209] : memref<7x128x256xf32, #tpu.memory_space<hbm>> -> memref<1x128x256xf32, #tpu.memory_space<hbm>>
      %dma_wait3A_211 = tpu.memref_squeeze %dma_wait3A_210 : memref<1x128x256xf32, #tpu.memory_space<hbm>> -> memref<128x256xf32, #tpu.memory_space<hbm>>
      %dma_wait3A_212 = arith.constant 96 : i32
      %dma_wait3A_213 = arith.constant 0 : i32
      %dma_wait3A_214 = tpu.memref_slice %dma_wait3A_211[%dma_wait3A_212, %dma_wait3A_213] : memref<128x256xf32, #tpu.memory_space<hbm>> -> memref<16x256xf32, #tpu.memory_space<hbm>>
      tpu.wait_dma2 semaphore(%arg6 : memref<!tpu.dma_semaphore, #tpu.memory_space<semaphore_mem>>) src(%arg5 : memref<16x256xf32, #tpu.memory_space<vmem>>) dst(%dma_wait3A_214 : memref<16x256xf32, #tpu.memory_space<hbm>>)
      %dma_wait3A_215 = arith.constant 0 : i32
      %dma_wait3A_216 = arith.constant 0 : i32
      %dma_wait3A_217 = tpu.memref_slice %arg3[%arg1, %dma_wait3A_215, %dma_wait3A_216] : memref<7x128x256xf32, #tpu.memory_space<hbm>> -> memref<1x128x256xf32, #tpu.memory_space<hbm>>
      %dma_wait3A_218 = tpu.memref_squeeze %dma_wait3A_217 : memref<1x128x256xf32, #tpu.memory_space<hbm>> -> memref<128x256xf32, #tpu.memory_space<hbm>>
      %dma_wait3A_219 = arith.constant 112 : i32
      %dma_wait3A_220 = arith.constant 0 : i32
      %dma_wait3A_221 = tpu.memref_slice %dma_wait3A_218[%dma_wait3A_219, %dma_wait3A_220] : memref<128x256xf32, #tpu.memory_space<hbm>> -> memref<16x256xf32, #tpu.memory_space<hbm>>
      %dma_wait3A_222 = arith.constant 0 : i32
      %dma_wait3A_223 = arith.constant 0 : i32
      %dma_wait3A_224 = tpu.memref_slice %arg3[%arg1, %dma_wait3A_222, %dma_wait3A_223] : memref<7x128x256xf32, #tpu.memory_space<hbm>> -> memref<1x128x256xf32, #tpu.memory_space<hbm>>
      %dma_wait3A_225 = tpu.memref_squeeze %dma_wait3A_224 : memref<1x128x256xf32, #tpu.memory_space<hbm>> -> memref<128x256xf32, #tpu.memory_space<hbm>>
      %dma_wait3A_226 = arith.constant 112 : i32
      %dma_wait3A_227 = arith.constant 0 : i32
      %dma_wait3A_228 = tpu.memref_slice %dma_wait3A_225[%dma_wait3A_226, %dma_wait3A_227] : memref<128x256xf32, #tpu.memory_space<hbm>> -> memref<16x256xf32, #tpu.memory_space<hbm>>
      tpu.wait_dma2 semaphore(%arg6 : memref<!tpu.dma_semaphore, #tpu.memory_space<semaphore_mem>>) src(%arg5 : memref<16x256xf32, #tpu.memory_space<vmem>>) dst(%dma_wait3A_228 : memref<16x256xf32, #tpu.memory_space<hbm>>)
    } else {
    }
    return
  }
}

module attributes {stable_mosaic.version = 14 : i64} {
  func.func @_broadcast_tc(%arg0: i32, %arg1: memref<64x256xf32, #tpu.memory_space<vmem>>, %arg2: memref<64x128x256xf32, #tpu.memory_space<vmem>>) attributes {dimension_semantics = [#tpu.dimension_semantics<arbitrary>], iteration_bounds = array<i64: 16>, scalar_prefetch = 0 : i64, scratch_operands = 0 : i64, tpu.core_type = #tpu.core_type<tc>, window_params = [{transform_indices = @transform_0, window_bounds = array<i64: 64, 256>}, {transform_indices = @transform_1, window_bounds = array<i64: 64, 128, 256>}]} {
    %get3A = arith.constant 0 : index
    %get3A_0 = arith.constant 0 : index
    %get3A_1 = vector.load %arg1[%get3A, %get3A_0] : memref<64x256xf32, #tpu.memory_space<vmem>>, vector<64x256xf32>
    %broadcast_in_dim3A = vector.shape_cast %get3A_1 : vector<64x256xf32> to vector<64x1x256xf32>
    %broadcast_in_dim3A_2 = vector.shape_cast %broadcast_in_dim3A : vector<64x1x256xf32> to vector<64x1x256xf32>
    %broadcast_in_dim3A_3 = vector.broadcast %broadcast_in_dim3A_2 : vector<64x1x256xf32> to vector<64x128x256xf32>
    %swap3A = arith.constant 0 : index
    %swap3A_4 = arith.constant 0 : index
    %swap3A_5 = arith.constant 0 : index
    %swap3A_6 = vector.load %arg2[%swap3A, %swap3A_4, %swap3A_5] : memref<64x128x256xf32, #tpu.memory_space<vmem>>, vector<64x128x256xf32>
    tpu.vector_store %arg2[%swap3A, %swap3A_4, %swap3A_5], %broadcast_in_dim3A_3 {strides = array<i32>} : memref<64x128x256xf32, #tpu.memory_space<vmem>>, vector<64x128x256xf32>,
    return
  }
  func.func @transform_0(%arg0: i32) -> (i32, i32) {
    %c0_i32 = arith.constant 0 : i32
    %c0_i32_0 = arith.constant 0 : i32
    return %arg0, %c0_i32 : i32, i32
  }
  func.func @transform_1(%arg0: i32) -> (i32, i32, i32) {
    %c0_i32 = arith.constant 0 : i32
    %c0_i32_0 = arith.constant 0 : i32
    %c0_i32_1 = arith.constant 0 : i32
    return %arg0, %c0_i32, %c0_i32_0 : i32, i32, i32
  }
}

</mosaic_0001>

<sc_bundles>
// kernel: kernel.4.cloned.1.call-start
scs
__scs_entry_jumppad:
0x0: {  	(pc) =	sbr.rel $0x88, $3  }
0x1: {  	(tag) =	ssettag $0x0;
	lr =	simm.s32 $0x1  }
0x2: {  	[smem:$0x3FA0] =	sst lr;
	_ =	strace $0xD0000000  }
0x3: {  	_ = 	snop  }
0x4: {  	_ = 	snop  }
0x5: {  	_ = 	snop  }
0x6: {  	_ = 	snop  }
0x7: {  	_ = 	snop  }
__scs_overlays_trampoline_lowered:
0x8: {  	[smem:$0x3FAF] =	sst s0  }
0x9: {  	[smem:$0x3FB0] =	sst s1  }
0xa: {  	[smem:$0x3FB1] =	sst s2  }
0xb: {  	[smem:$0x3FB2] =	sst s3  }
0xc: {  	[smem:$0x3FB3] =	sst s4  }
0xd: {  	[smem:$0x3FB4] =	sst s5  }
0xe: {  	[smem:$0x3FB5] =	sst s6  }
0xf: {  	[smem:$0x3FB6] =	sst s7  }
0x10: {  	[smem:$0x3FB7] =	sst s8  }
0x11: {  	[smem:$0x3FB8] =	sst s9;
	s0 =	simm.s32 @!p0 $0x0  }
0x12: {  	s1 =	sld [smem:$0x3F9E];
	s0 =	simm.s32 @p0 $0x1  }
0x13: {  	[smem:$0x3FB9] =	sst s0;
	s0 =	simm.s32 @!p1 $0x0  }
0x14: {  	s2 =	sld [smem:$0x3F9D];
	s0 =	simm.s32 @p1 $0x1  }
0x15: {  	[smem:$0x3FBA] =	sst s0;
	s0 =	simm.s32 @!p2 $0x0  }
0x16: {  	s3 =	sld [smem:$0x3FDB];
	s0 =	simm.s32 @p2 $0x1  }
0x17: {  	s4 =	simm.s32 $0x1BF5;
	[smem:$0x3FBC] =	sst s0  }
0x18: {  	s0 =	sld [smem:$0x3F9F];
	_ =	swait.ge [sflag:s4], $0x0  }
0x19: {  	s7 =	sld [smem:$0x3FA0]  }
0x1a: {  	s8 =	sadd.s32 $0xFFFFE003, lr  }
0x1b: {  	s9 =	sadd.s32 $0xFFFFFEF7, lr;
	s5 =	simm.s32 $0xFFFFFFFF;
	p2 =	slt.u32 s8, $0xFFFFF086  }
0x1c: {  	p1 =	slt.u32 s9, $0xF7A;
	s5 =	simm.s32 @!p2 $0x0  }
0x1d: {  	s5 =	simm.s32 @p1 $0x1;
	p0 =	seq.s32 s7, s2  }
0x1e: {  	s7 =	smul.u32 @!p0 $0xF7A, s2;
	p2 =	seq.s32 @!p0 s5, $0x0  }
0x1f: {  	s9 =	smul.u32 $0xF7A, s1;
	s8 =	simm.s32 @!p0 $0x1BF5;
	p2 =	por !p2, p0  }
0x20: {  	[sflag:s8] =	ssyncset.s32 @!p0 $0xFFFFF086;
	s6 =	sadd.s32 @!p0 s3, s7;
	s7 =	simm.s32 @!p0 $0x108  }
0x21: {  	s3 =	sadd.s32 s3, s9;
	s6 =	sadd.s32 @!p0 $0x88, s6;
	s7 =	simm.s32 @p2 $0x1082  }
0x22: {  	[simem:s7], [sflag:s8] =	dma.local @!p0 [hbm:s6], $0xF7A  }
0x23: {  	s9 =	sor.u32 $0xD0000000, s2;
	s6 =	simm.s32 $0x108;
	_ =	swait.ge @!p0 [sflag:s8], $0x0  }
0x24: {  	s3 =	sadd.s32 $0x88, s3;
	s6 =	simm.s32 @!p1 $0x1082;
	[sflag:s4] =	ssyncset.s32 $0xFFFFF086  }
0x25: {  	[simem:s6], [sflag:s4] =	dma.local [hbm:s3], $0xF7A  }
0x26: {  	[smem:$0x3FA0] =	sst s1;
	(tag) =	ssettag s2;
	_ =	strace s9  }
0x27: {  	s1 =	sld [smem:$0x3FB0]  }
0x28: {  	s2 =	sld [smem:$0x3FB1]  }
0x29: {  	s4 =	sld [smem:$0x3FB3]  }
0x2a: {  	p0 =	seq.s32 s5, $0x0;
	s5 =	sld [smem:$0x3FB4]  }
0x2b: {  	s6 =	sld [smem:$0x3FB5]  }
0x2c: {  	s7 =	sld [smem:$0x3FB6]  }
0x2d: {  	s3 =	simm.s32 $0x108;
	s8 =	sld [smem:$0x3FB7]  }
0x2e: {  	s3 =	simm.s32 @!p0 $0x1082;
	s9 =	sld [smem:$0x3FB8]  }
0x2f: {  	lr =	sadd.s32 s0, s3;
	s0 =	sld [smem:$0x3FAF]  }
0x30: {  	s3 =	sld [smem:$0x3FB2]  }
0x31: {  	[smem:$0x3FBB] =	sst s10  }
0x32: {  	s10 =	sld [smem:$0x3FB9];
	_ =	sdelay $0x3  }
0x33: {  	p0 =	seq.s32 s10, $0x1;
	s10 =	sld [smem:$0x3FBB];
	_ =	sdelay $0x3  }
0x34: {  	[smem:$0x3FBB] =	sst s10  }
0x35: {  	s10 =	sld [smem:$0x3FBA];
	_ =	sdelay $0x3  }
0x36: {  	p1 =	seq.s32 s10, $0x1;
	s10 =	sld [smem:$0x3FBB];
	_ =	sdelay $0x3  }
0x37: {  	[smem:$0x3FBB] =	sst s10  }
0x38: {  	s10 =	sld [smem:$0x3FBC]  }
0x39: {  	_ = 	snop;
	(pc) =	sbr.ind lr, $3  }
0x3a: {  	_ = 	snop  }
0x3b: {  	_ = 	snop  }
0x3c: {  	p2 =	seq.s32 s10, $0x1;
	s10 =	sld [smem:$0x3FBB]  }
0x3d: {  	_ =	shalt  }
0x3e: {  	_ =	shalt  }
0x3f: {  	_ =	shalt  }
0x40: {  	_ =	shalt  }
0x41: {  	_ =	shalt  }
0x42: {  	_ =	shalt  }
0x43: {  	_ =	shalt  }
0x44: {  	_ =	shalt  }
0x45: {  	_ =	shalt  }
0x46: {  	_ =	shalt  }
0x47: {  	_ =	shalt  }
0x48: {  	_ =	shalt  }
0x49: {  	_ =	shalt  }
0x4a: {  	_ =	shalt  }
0x4b: {  	_ =	shalt  }
0x4c: {  	_ =	shalt  }
0x4d: {  	_ =	shalt  }
0x4e: {  	_ =	shalt  }
0x4f: {  	_ =	shalt  }
0x50: {  	_ =	shalt  }
0x51: {  	_ =	shalt  }
0x52: {  	_ =	shalt  }
0x53: {  	_ =	shalt  }
0x54: {  	_ =	shalt  }
0x55: {  	_ =	shalt  }
0x56: {  	_ =	shalt  }
0x57: {  	_ =	shalt  }
0x58: {  	_ =	shalt  }
0x59: {  	_ =	shalt  }
0x5a: {  	_ =	shalt  }
0x5b: {  	_ =	shalt  }
0x5c: {  	_ =	shalt  }
0x5d: {  	_ =	shalt  }
0x5e: {  	_ =	shalt  }
0x5f: {  	_ =	shalt  }
0x60: {  	_ =	shalt  }
0x61: {  	_ =	shalt  }
0x62: {  	_ =	shalt  }
0x63: {  	_ =	shalt  }
0x64: {  	_ =	shalt  }
0x65: {  	_ =	shalt  }
0x66: {  	_ =	shalt  }
0x67: {  	_ =	shalt  }
0x68: {  	_ =	shalt  }
0x69: {  	_ =	shalt  }
0x6a: {  	_ =	shalt  }
0x6b: {  	_ =	shalt  }
0x6c: {  	_ =	shalt  }
0x6d: {  	_ =	shalt  }
0x6e: {  	_ =	shalt  }
0x6f: {  	_ =	shalt  }
0x70: {  	_ =	shalt  }
0x71: {  	_ =	shalt  }
0x72: {  	_ =	shalt  }
0x73: {  	_ =	shalt  }
0x74: {  	_ =	shalt  }
0x75: {  	_ =	shalt  }
0x76: {  	_ =	shalt  }
0x77: {  	_ =	shalt  }
0x78: {  	_ =	shalt  }
0x79: {  	_ =	shalt  }
0x7a: {  	_ =	shalt  }
0x7b: {  	_ =	shalt  }
0x7c: {  	_ =	shalt  }
0x7d: {  	_ =	shalt  }
0x7e: {  	_ =	shalt  }
0x7f: {  	_ =	shalt  }
0x80: {  	_ =	shalt  }
0x81: {  	_ =	shalt  }
0x82: {  	_ =	shalt  }
0x83: {  	_ =	shalt  }
0x84: {  	_ =	shalt  }
0x85: {  	_ =	shalt  }
0x86: {  	_ =	shalt  }
0x87: {  	_ =	shalt  }
.Lfunc_end0:
.L_simem_size_0:
called_computation_lowered:
.L_overlay_start_0:
0x88: {  	s0 =	sld [smem:$0x3FD9]  }
0x89: {  	s1 =	sld [smem:$0x3FFE];
	_ =	sdelay $0x3  }
0x8a: {  	s0 =	sadd.s32 s1, s0  }
0x8b: {  	[smem:$0x3FC7] =	sst s0  }
0x8c: {  	_ = 	snop  }
0x8d: {  	s0 =	sld [smem:$0x3FC9];
	(tm) =	ssettm $0x1  }
0x8e: {  	s16 =	sld [smem:$0x3FFB];
	_ =	sdelay $0x3  }
0x8f: {  	_ =	strace s16  }
0x90: {  	s1 =	sld [smem:$0x3FFC];
	_ =	sdelay $0x3  }
0x91: {  	_ =	strace s1  }
0x92: {  	s1 =	sld [smem:$0x3FFD];
	_ =	sdelay $0x3  }
0x93: {  	_ =	strace s1  }
0x94: {  	_ =	strace $0x8FFFFFFF  }
0x95: {  	s17 =	sld [smem:$0x3FDB];
	_ =	sdelay $0x1  }
0x96: {  	s2 =	simm.s32 $_scs_section_size  }
0x97: {  	s3 =	simm.s32 $_size__tile_overlayer_lowered;
	s4 =	simm.s32 $_tile_overlayer_lowered  }
0x98: {  	s20 =	simm.s32 $0x1BFF;
	s19 =	sshll.u32 s4, $0x1;
	s1 =	sadd.s32 s2, s17  }
0x99: {  	s5 =	simm.s32 $0x0;
	s18 =	sshll.u32 s3, $0x1;
	s3 =	sadd.s32 s19, s1  }
0x9a: {  	[timem:s5], [sflag:s20] =	dma.local [hbm:s3], s18  }
0x9b: {  	_ =	swait.ge [sflag:s20], s18  }
0x9c: {  	s2 =	ssub.s32 $0x0, s18;
	[sflag:s20] =	ssyncset.done $0x0  }
0x9d: {  	[sflag:s20] =	ssyncadd.s32 s2;
	_ =	sdelay $0x1  }
0x9e: {  	s21 =	simm.s32 $0x1B8B  }
0x9f: {  	_ =	swait.ge [sflag:s21], $0x1  }
0xa0: {  	[sflag:s21] =	ssyncset.done $0x0  }
0xa1: {  	s23 =	simm.s32 $0x1B8E;
	s22 =	sld [smem:$0x3FFE];
	[sflag:s21] =	ssyncadd.s32 $0xFFFFFFFF  }
0xa2: {  	s24 =	simm.s32 $execute0_lowered;
	[smem:$0x3FD2] =	sst s23  }
0xa3: {  	s3 =	sshll.u32 s24, $0x1;
	_ =	strace $0x80000046;
	[dreg:$0x1] =	wrdreg $0xFFFFFFFF  }
0xa4: {  	s25 =	simm.s32 $_size_execute0_lowered;
	s1 =	sadd.s32 s1, s3;
	[dreg:$0x0] =	wrdreg $0x0  }
0xa5: {  	s3 =	sshll.u32 s25, $0x1;
	[dreg:$0x2] =	wrdreg s1  }
0xa6: {  	[dreg:$0x3] =	wrdreg s3  }
0xa7: {  	[dreg:$0x4] =	wrdreg $0xC0  }
0xa8: {  	_ =	task [dreg:s5], $0x5FFFF  }
0xa9: {  	[dreg:$0x1] =	wrdreg $0xFFFFFFFF  }
0xaa: {  	[dreg:$0x0] =	wrdreg $0x60  }
0xab: {  	[dreg:$0x2] =	wrdreg s0  }
0xac: {  	[dreg:$0x3] =	wrdreg s22  }
0xad: {  	[dreg:$0x4] =	wrdreg $0x9  }
0xae: {  	_ =	task.clear_ibuf [dreg:s5], $0x5FFFF;
	_ =	strace $0x90000046  }
0xaf: {  	s26 =	simm.s32 $0x9;
	_ =	strace $0x80000048  }
0xb0: {  	_ =	swait.ge [sflag:s26], $0x1  }
0xb1: {  	[sflag:s26] =	ssyncadd.s32 $0xFFFFFFFF  }
0xb2: {  	_ =	strace $0x90000048  }
0xb3: {  	_ =	sfence  }
0xb4: {  	s28 =	sld [smem:$0x0];
	_ =	sdelay $0x1  }
0xb5: {  	s29 =	srdreg.scid  }
0xb6: {  	s30 =	sshll.u32 s29, $0xD;
	s31 =	sshrl.u32 s29, $0x2  }
0xb7: {  	s2 =	sand.u32 $0x4000, s30;
	s1 =	sand.u32 $0x1, s29;
	s0 =	sadd.s32 s31, s28  }
0xb8: {  	s1 =	sor.u32 s2, s1;
	s0 =	sshll.u32 s0, $0x11  }
0xb9: {  	s0 =	sor.u32 s0, s1  }
0xba: {  	s0 =	sadd.s32 $0x8F2B, s0  }
0xbb: {  	[sflag:s0] =	ssyncadd.remote.s32 $0x1  }
0xbc: {  	_ =	sfence.sel $0xFFFF  }
0xbd: {  	[dreg:$0x0] =	wrdreg $0xFFFFFFFF;
	(pc) =	sbr.abs _section_cstart, $3  }
0xbe: {  	[dreg:$0x1] =	wrdreg $0xFFFFFFFF  }
0xbf: {  	_ =	task.clear_ibuf [dreg:s5], $0x2FFFF;
	_ =	strace $0x9FFFFFFF  }
0xc0: {  	(tm) =	ssettm $0x7FFFFFFF  }
0xc1: {  	_ =	shalt  }
tec
execute0_lowered:
.L_overlay_start_1:
0x0: {  	(tag) =	ssettag $0x1  }
0x1: {  	s1 =	stileid.u32  }
0x2: {  	p0 =	sgt.u32 s1, $0x6  }
.Ltmp0:
0x3: {  	_ = 	snop;
	(pc) =	sbr.rel @p0 .LBB2_4-.Ltmp0, $4  }
0x4: {  	s3 =	rddreg [dreg:$0x0]  }
0x5: {  	s2 =	rddreg [dreg:$0x1];
	s4 =	simm.s32 $0x0  }
0x6: {  	[smem:$0x7FF] =	sst s4  }
0x7: {  	s0 =	rddreg [dreg:$0x2];
	_ =	strace $0x80000047  }
0x8: {  	s3 =	sadd.s32 $0x7C00, s3;
	s5 =	simm.s32 $0x2  }
0x9: {  	[tilespmem:s4], [sflag:$0x2] =	stream.linear.gather [hbm4b:s3+s4], $0x800, $0x38;
	[tilespmem:$0x1800] =	vst v63  }
0xa: {  	s6 =	sand.u32 $0x400, s4;
	s3 =	sshll.u32 s1, $0x7;
	_ =	swait.ge [sflag:s5], $0x800  }
0xb: {  	s29 =	sand.u32 $0x70, s4;
	s7 =	sadd.s32 s6, s3;
	[sflag:s5] =	ssyncset.done $0x0  }
0xc: {  	s30 =	sadd.s32 s29, s7;
	[sflag:s5] =	ssyncadd.s32 $0xFFFFF800  }
0xd: {  	v0 =	vld [tilespmem:s30+$0x0];
	_ =	sdelay $0x3  }
0xe: {  	s4 =	sor.u32 s29, s6  }
0xf: {  	[tilespmem:s4+$0x800] =	vst v0  }
0x10: {  	[tilespmem:s4+$0x880] =	vst v0  }
0x11: {  	[tilespmem:s4+$0x900] =	vst v0  }
0x12: {  	[tilespmem:s4+$0x980] =	vst v0  }
0x13: {  	[tilespmem:s4+$0xA00] =	vst v0  }
0x14: {  	[tilespmem:s4+$0xA80] =	vst v0  }
0x15: {  	[tilespmem:s4+$0xB00] =	vst v0  }
0x16: {  	[tilespmem:s4+$0xB80] =	vst v0  }
0x17: {  	[tilespmem:s4+$0x1000] =	vst v0  }
0x18: {  	[tilespmem:s4+$0x1080] =	vst v0  }
0x19: {  	s31 =	sshll.u32 s1, $0xC;
	[tilespmem:s4+$0x1100] =	vst v0  }
0x1a: {  	s2 =	sadd.s32 s31, s2;
	[tilespmem:s4+$0x1180] =	vst v0  }
0x1b: {  	s2 =	sadd.s32 $0x600, s2;
	s5 =	simm.s32 $0x80;
	[tilespmem:s4+$0x1200] =	vst v0  }
0x1c: {  	s6 =	simm.s32 $0x20;
	s7 =	simm.s32 $0x10;
	s8 =	sand.u32 $0x400, s5;
	[tilespmem:s4+$0x1280] =	vst v0  }
.LBB2_2:
0x1d: {  	p0 =	sne.s32 s6, $0xF0;
	s9 =	sand.u32 $0x70, s7;
	s7 =	sadd.s32 s8, s3;
	[tilespmem:s4+$0x1300] =	vst v0  }
0x1e: {  	s10 =	sadd.s32 s9, s7;
	[tilespmem:s4+$0x1380] =	vst v0;
	s7 =	smov.u32 s6  }
0x1f: {  	v0 =	vld [tilespmem:s10+$0x0];
	_ =	sdelay $0x3  }
0x20: {  	s4 =	sor.u32 s9, s8  }
0x21: {  	[tilespmem:s4+$0x800] =	vst v0  }
0x22: {  	[tilespmem:s4+$0x880] =	vst v0  }
0x23: {  	[tilespmem:s4+$0x900] =	vst v0  }
0x24: {  	[tilespmem:s4+$0x980] =	vst v0  }
0x25: {  	[tilespmem:s4+$0xA00] =	vst v0  }
0x26: {  	[tilespmem:s4+$0xA80] =	vst v0  }
0x27: {  	[tilespmem:s4+$0xB00] =	vst v0  }
0x28: {  	[tilespmem:s4+$0xB80] =	vst v0  }
0x29: {  	[tilespmem:s4+$0x1000] =	vst v0  }
.Ltmp1:
0x2a: {  	[tilespmem:s4+$0x1080] =	vst v0;
	(pc) =	sbr.rel @p0 .LBB2_2-.Ltmp1, $4  }
0x2b: {  	[tilespmem:s4+$0x1100] =	vst v0  }
0x2c: {  	[tilespmem:s4+$0x1180] =	vst v0  }
0x2d: {  	s5 =	sadd.s32 $0x80, s5;
	[tilespmem:s4+$0x1200] =	vst v0  }
0x2e: {  	s8 =	sand.u32 $0x400, s5;
	s6 =	sadd.s32 $0x10, s6;
	[tilespmem:s4+$0x1280] =	vst v0  }
0x2f: {  	s5 =	sand.u32 $0x70, s7;
	s3 =	sadd.s32 s8, s3;
	[tilespmem:s4+$0x1300] =	vst v0  }
0x30: {  	[tilespmem:s4+$0x1380] =	vst v0;
	s3 =	sadd.s32 s5, s3  }
0x31: {  	v0 =	vld [tilespmem:s3+$0x0];
	_ =	sdelay $0x3  }
0x32: {  	s20 =	sor.u32 s5, s8  }
0x33: {  	[tilespmem:s20+$0x800] =	vst v0  }
0x34: {  	[tilespmem:s20+$0x880] =	vst v0  }
0x35: {  	[tilespmem:s20+$0x900] =	vst v0  }
0x36: {  	[tilespmem:s20+$0x980] =	vst v0  }
0x37: {  	[tilespmem:s20+$0xA00] =	vst v0  }
0x38: {  	[tilespmem:s20+$0xA80] =	vst v0  }
0x39: {  	[tilespmem:s20+$0xB00] =	vst v0  }
0x3a: {  	[tilespmem:s20+$0xB80] =	vst v0  }
0x3b: {  	[tilespmem:s20+$0x1000] =	vst v0  }
0x3c: {  	[tilespmem:s20+$0x1080] =	vst v0  }
0x3d: {  	[tilespmem:s20+$0x1100] =	vst v0  }
0x3e: {  	[tilespmem:s20+$0x1180] =	vst v0  }
0x3f: {  	[tilespmem:s20+$0x1200] =	vst v0  }
0x40: {  	[tilespmem:s20+$0x1280] =	vst v0  }
0x41: {  	[tilespmem:s20+$0x1300] =	vst v0  }
0x42: {  	s21 =	simm.s32 $0x0;
	s22 =	simm.s32 $0x800;
	[tilespmem:s20+$0x1380] =	vst v0  }
0x43: {  	[hbm4b:s2+s21] =	stream.linear.scatter [tilespmem:s22], [sflag:$0x1], $0x1000, $0x38;
	[tilespmem:$0x1800] =	vst v63  }
0x44: {  	s23 =	sadd.s32 $0x200, s2  }
0x45: {  	[hbm4b:s23+s21] =	stream.linear.scatter [tilespmem:s22], [sflag:$0x1], $0x1000, $0x38;
	[tilespmem:$0x1800] =	vst v63  }
0x46: {  	s24 =	sadd.s32 $0x400, s2  }
0x47: {  	[hbm4b:s24+s21] =	stream.linear.scatter [tilespmem:s22], [sflag:$0x1], $0x1000, $0x38;
	[tilespmem:$0x1800] =	vst v63  }
0x48: {  	s25 =	sadd.s32 $0x600, s2  }
0x49: {  	[hbm4b:s25+s21] =	stream.linear.scatter [tilespmem:s22], [sflag:$0x1], $0x1000, $0x38;
	[tilespmem:$0x1800] =	vst v63  }
0x4a: {  	s26 =	sadd.s32 $0x800, s2  }
0x4b: {  	[hbm4b:s26+s21] =	stream.linear.scatter [tilespmem:s22], [sflag:$0x1], $0x1000, $0x38;
	[tilespmem:$0x1800] =	vst v63  }
0x4c: {  	s28 =	sadd.s32 $0xA00, s2  }
0x4d: {  	[hbm4b:s28+s21] =	stream.linear.scatter [tilespmem:s22], [sflag:$0x1], $0x1000, $0x38;
	[tilespmem:$0x1800] =	vst v63  }
0x4e: {  	s29 =	sadd.s32 $0xC00, s2  }
0x4f: {  	[hbm4b:s29+s21] =	stream.linear.scatter [tilespmem:s22], [sflag:$0x1], $0x1000, $0x38;
	[tilespmem:$0x1800] =	vst v63  }
0x50: {  	s30 =	sadd.s32 $0xE00, s2;
	s31 =	simm.s32 $0x1  }
0x51: {  	[hbm4b:s30+s21] =	stream.linear.scatter [tilespmem:s22], [sflag:$0x1], $0x1000, $0x38;
	[tilespmem:$0x1800] =	vst v63  }
0x52: {  	_ =	swait.ge [sflag:s31], $0x1000  }
0x53: {  	[sflag:s31] =	ssyncset.done $0x0  }
0x54: {  	[sflag:s31] =	ssyncadd.s32 $0xFFFFF000  }
0x55: {  	_ =	swait.ge [sflag:s31], $0x1000  }
0x56: {  	[sflag:s31] =	ssyncset.done $0x0  }
0x57: {  	[sflag:s31] =	ssyncadd.s32 $0xFFFFF000  }
0x58: {  	_ =	swait.ge [sflag:s31], $0x1000  }
0x59: {  	[sflag:s31] =	ssyncset.done $0x0  }
0x5a: {  	[sflag:s31] =	ssyncadd.s32 $0xFFFFF000  }
0x5b: {  	_ =	swait.ge [sflag:s31], $0x1000  }
0x5c: {  	[sflag:s31] =	ssyncset.done $0x0  }
0x5d: {  	[sflag:s31] =	ssyncadd.s32 $0xFFFFF000  }
0x5e: {  	_ =	swait.ge [sflag:s31], $0x1000  }
0x5f: {  	[sflag:s31] =	ssyncset.done $0x0  }
0x60: {  	[sflag:s31] =	ssyncadd.s32 $0xFFFFF000  }
0x61: {  	_ =	swait.ge [sflag:s31], $0x1000  }
0x62: {  	[sflag:s31] =	ssyncset.done $0x0  }
0x63: {  	[sflag:s31] =	ssyncadd.s32 $0xFFFFF000  }
0x64: {  	_ =	swait.ge [sflag:s31], $0x1000  }
0x65: {  	[sflag:s31] =	ssyncset.done $0x0  }
0x66: {  	[sflag:s31] =	ssyncadd.s32 $0xFFFFF000  }
0x67: {  	_ =	swait.ge [sflag:s31], $0x1000  }
0x68: {  	[sflag:s31] =	ssyncset.done $0x0  }
0x69: {  	[sflag:s31] =	ssyncadd.s32 $0xFFFFF000  }
.LBB2_4:
0x6a: {  	_ =	sfence.sel $0x180000  }
0x6b: {  	[bflag:$0x0] =	sbarrier.arrive $0xFFFF  }
0x6c: {  	p0 =	sne.s32 s1, $0x0;
	_ =	strace $0x90000047  }
0x6d: {  	s0 =	sadd.s32 @!p0 $0x100000, s0;
	[bflag:$0x2] =	sbarrier.arrive $0xFFFF  }
0x6e: {  	[sflag:s0] =	ssyncadd.tile.s32 @!p0 $0x1;
	_ =	shalt  }
.Lfunc_end2:
_tile_overlayer_lowered:
.L_overlay_start_2:
0x6f: {  	(tag) =	ssettag $0x2  }
0x70: {  	s0 =	rddreg [dreg:$0x0];
	s2 =	stileid.u32  }
0x71: {  	s1 =	rddreg [dreg:$0x1];
	p0 =	sne.s32 s2, $0x0  }
0x72: {  	s3 =	rddreg [dreg:$0x2];
	[bflag:$0x3] =	sbarrier.arrive $0xFFFF;
	s2 =	simm.s32 @!p0 $0x1C02  }
0x73: {  	[timem:s3], [sflag:s2] =	dma.local @!p0 [hbm:s0], s1  }
0x74: {  	s0 =	simm.s32 @!p0 $0x2  }
0x75: {  	_ =	swait.ge @!p0 [sflag:s0], s1  }
0x76: {  	s1 =	ssub.s32 @!p0 $0x0, s1;
	[sflag:s0] =	ssyncset.done @!p0 $0x0  }
0x77: {  	[sflag:s0] =	ssyncadd.s32 @!p0 s1  }
0x78: {  	[bflag:$0x3] =	sbarrier.arrive $0xFFFF  }
0x79: {  	_ =	shalt  }

</sc_bundles>
